<compile_context>
chip_gen: v7x
topology: tpu7x:2x2x1
jax: 0.10.2.dev20260603
libtpu: 0.0.44.dev20260713+nightly
codegen_flags: <defaults>
</compile_context>

<pallas_src>
import functools

import jax
import jax.numpy as jnp
from jax import lax
from jax.experimental import pallas as pl
from jax.experimental.pallas import tpu as pltpu
from jax.experimental.pallas import tpu_sc as plsc

B, IN, H, D, K, S = 16384, 256, 512, 32, 8192, 256

BB = 256
BD = 512

_NC, _NS = 2, 16
_NW = _NC * _NS
_BPW = B // _NW


def _encode_argmin_body(x_ref, we1_ref, be1_ref, we2_ref, be2_ref,
                        we3_ref, be3_ref, cbt_ref, ze_ref, am_ref):
    x = x_ref[...]
    h = jnp.maximum(
        jnp.dot(x, we1_ref[...], preferred_element_type=jnp.float32)
        + be1_ref[...], 0.0)
    h = jnp.maximum(
        jnp.dot(h, we2_ref[...], preferred_element_type=jnp.float32)
        + be2_ref[...], 0.0)
    z = (jnp.dot(h, we3_ref[...], preferred_element_type=jnp.float32)
         + be3_ref[...])
    ze_ref[...] = z
    cbt = cbt_ref[...]
    d2 = (jnp.sum(z * z, axis=1, keepdims=True)
          - 2.0 * jnp.dot(z, cbt, preferred_element_type=jnp.float32)
          + jnp.sum(cbt * cbt, axis=0)[None, :])
    minv = jnp.min(d2, axis=1, keepdims=True)
    iota = lax.broadcasted_iota(jnp.int32, d2.shape, 1)
    am = jnp.min(jnp.where(d2 == minv, iota, K), axis=1)
    am_ref[...] = am.astype(jnp.int32)[:, None]


def _decode_body(zq_ref, w3_ref, b3_ref, w4_ref, b4_ref, w5_ref, b5_ref,
                 out_ref):
    h = jnp.maximum(
        jnp.dot(zq_ref[...], w3_ref[...], preferred_element_type=jnp.float32)
        + b3_ref[...], 0.0)
    h = jnp.maximum(
        jnp.dot(h, w4_ref[...], preferred_element_type=jnp.float32)
        + b4_ref[...], 0.0)
    out_ref[...] = (
        jnp.dot(h, w5_ref[...], preferred_element_type=jnp.float32)
        + b5_ref[...])


def _sc_gather(codebook, idx):
    mesh = plsc.VectorSubcoreMesh(core_axis_name="c", subcore_axis_name="s")

    @functools.partial(
        pl.kernel, mesh=mesh,
        compiler_params=pltpu.CompilerParams(use_tc_tiling_on_sc=False),
        out_type=jax.ShapeDtypeStruct((B, D), jnp.float32),
        scratch_types=[
            pltpu.VMEM((_BPW,), jnp.int32),
            pltpu.VMEM((_BPW, D), jnp.float32),
            pltpu.SemaphoreType.DMA,
        ],
    )
    def gather_k(table_hbm, idx_hbm, out_hbm, idx_v, rows_v, sem):
        wid = lax.axis_index("s") * _NC + lax.axis_index("c")
        base = wid * _BPW
        pltpu.sync_copy(idx_hbm.at[pl.ds(base, _BPW)], idx_v)
        pltpu.async_copy(table_hbm.at[idx_v], rows_v, sem).wait()
        pltpu.sync_copy(rows_v, out_hbm.at[pl.ds(base, _BPW)])

    return gather_k(codebook, idx)


def kernel(inputs, W_e1, b_e1, W_e2, b_e2, W_e3, b_e3, codebook,
           W3, b3, W4, b4, W5, b5):
    be1 = b_e1.reshape(1, H)
    be2 = b_e2.reshape(1, H)
    be3 = b_e3.reshape(1, D)
    b3r = b3.reshape(1, H)
    b4r = b4.reshape(1, H)
    b5r = b5.reshape(1, S)
    cbt = codebook.T

    z_e, am2 = pl.pallas_call(
        _encode_argmin_body,
        grid=(B // BB,),
        in_specs=[
            pl.BlockSpec((BB, IN), lambda i: (i, 0)),
            pl.BlockSpec((IN, H), lambda i: (0, 0)),
            pl.BlockSpec((1, H), lambda i: (0, 0)),
            pl.BlockSpec((H, H), lambda i: (0, 0)),
            pl.BlockSpec((1, H), lambda i: (0, 0)),
            pl.BlockSpec((H, D), lambda i: (0, 0)),
            pl.BlockSpec((1, D), lambda i: (0, 0)),
            pl.BlockSpec((D, K), lambda i: (0, 0)),
        ],
        out_specs=[
            pl.BlockSpec((BB, D), lambda i: (i, 0)),
            pl.BlockSpec((BB, 1), lambda i: (i, 0)),
        ],
        out_shape=[
            jax.ShapeDtypeStruct((B, D), jnp.float32),
            jax.ShapeDtypeStruct((B, 1), jnp.int32),
        ],
    )(inputs, W_e1, be1, W_e2, be2, W_e3, be3, cbt)

    argmin = am2.reshape(B)
    emb = _sc_gather(codebook, argmin)

    s_hat = pl.pallas_call(
        _decode_body,
        grid=(B // BD,),
        in_specs=[
            pl.BlockSpec((BD, D), lambda i: (i, 0)),
            pl.BlockSpec((D, H), lambda i: (0, 0)),
            pl.BlockSpec((1, H), lambda i: (0, 0)),
            pl.BlockSpec((H, H), lambda i: (0, 0)),
            pl.BlockSpec((1, H), lambda i: (0, 0)),
            pl.BlockSpec((H, S), lambda i: (0, 0)),
            pl.BlockSpec((1, S), lambda i: (0, 0)),
        ],
        out_specs=pl.BlockSpec((BD, S), lambda i: (i, 0)),
        out_shape=jax.ShapeDtypeStruct((B, S), jnp.float32),
    )(emb, W3, b3r, W4, b4r, W5, b5r)

    return (s_hat, z_e, emb, argmin)

# --- scband reference (transcript-rebuilt; emitter-appended) ---
"""Pipeline reference for scband-vqvae-49108656063035 (READ-ONLY COPY).

The authoritative reference and input builder live on the scoring server;
editing this copy changes nothing except your own understanding.
"""

import jax, jax.numpy as jnp
import numpy as np

B, IN, H, D, K, S = 16384, 256, 512, 32, 8192, 256

def setup_inputs(seed: int = 0) -> dict:
    key = jax.random.key(seed)
    ks = jax.random.split(key, 16)
    def w(k, shape, s=0.02):
        return (jax.random.normal(k, shape, dtype=jnp.float32) * s)
    return {
        "inputs": jax.random.normal(ks[0], (B, IN), dtype=jnp.float32),
        "W_e1": w(ks[1], (IN, H)), "b_e1": jnp.zeros((H,), jnp.float32),
        "W_e2": w(ks[2], (H, H)),  "b_e2": jnp.zeros((H,), jnp.float32),
        "W_e3": w(ks[3], (H, D)),  "b_e3": jnp.zeros((D,), jnp.float32),
        "codebook": w(ks[4], (K, D), 0.1),
        "W3": w(ks[5], (D, H)), "b3": jnp.zeros((H,), jnp.float32),
        "W4": w(ks[6], (H, H)), "b4": jnp.zeros((H,), jnp.float32),
        "W5": w(ks[7], (H, S)), "b5": jnp.zeros((S,), jnp.float32),
    }

def _encode(x, W_e1, b_e1, W_e2, b_e2, W_e3, b_e3):
    h = jax.nn.relu(jnp.dot(x, W_e1) + b_e1)
    h = jax.nn.relu(jnp.dot(h, W_e2) + b_e2)
    return jnp.dot(h, W_e3) + b_e3

def _nearest(z_e, codebook):
    # squared L2 distance to every code: [B, K]
    d2 = (jnp.sum(z_e * z_e, axis=1, keepdims=True)
          - 2.0 * jnp.dot(z_e, codebook.T)
          + jnp.sum(codebook * codebook, axis=1)[None, :])
    argmin = jnp.argmin(d2, axis=1)
    return jnp.take(codebook, argmin, axis=0), argmin

def _decode(z, W3, b3, W4, b4, W5, b5):
    rec_hidden = jax.nn.relu(jnp.dot(z, W3) + b3)
    return jnp.dot(jax.nn.relu(jnp.dot(rec_hidden, W4) + b4), W5) + b5

def reference(inputs, W_e1, b_e1, W_e2, b_e2, W_e3, b_e3, codebook, W3, b3, W4, b4, W5, b5):
    z_e = _encode(inputs, W_e1, b_e1, W_e2, b_e2, W_e3, b_e3)
    z_q_raw, argmin = _nearest(z_e, codebook)
    # emb(z_e, weight_sg=True): straight-through to encoder, no grad to codebook
    z_q = z_e + jax.lax.stop_gradient(z_q_raw - z_e)
    # emb(z_e.detach()): grad flows to codebook only
    emb = jnp.take(codebook, argmin, axis=0)
    s_hat = _decode(z_q, W3, b3, W4, b4, W5, b5)
    return (s_hat, z_e, emb, argmin)

if __name__ == "__main__":
    import jax
    _d = setup_inputs()
    print(jax.jit(kernel)(*tuple(_d.values())))

</pallas_src>

<mosaic_0001>
#map = affine_map<(d0, d1) -> (0, 0)>
#map1 = affine_map<(d0, d1) -> (0)>
module attributes {stable_mosaic.version = 14 : i64} {
  func.func @gather_k(%arg0: i32, %arg1: i32, %arg2: memref<8192x32xf32, #tpu.memory_space<hbm>>, %arg3: memref<16384xi32, #tpu.memory_space<hbm>>, %arg4: memref<16384x32xf32, #tpu.memory_space<hbm>>, %arg5: memref<512xi32, #tpu.memory_space<vmem>>, %arg6: memref<512x32xf32, #tpu.memory_space<vmem>>, %arg7: memref<!tpu.dma_semaphore, #tpu.memory_space<semaphore_mem>>) attributes {dimension_semantics = [#tpu.dimension_semantics<core_parallel>, #tpu.dimension_semantics<subcore_parallel>], iteration_bounds = array<i64: 2, 16>, scalar_prefetch = 0 : i64, scratch_operands = 3 : i64, tpu.core_type = #tpu.core_type<sc_vector_subcore>, window_params = [{transform_indices = #map}, {transform_indices = #map1}, {transform_indices = #map}]} {
    %mul3A = arith.constant 2 : i32
    %mul3A_0 = arith.muli %arg1, %mul3A : i32
    %add3A = arith.addi %mul3A_0, %arg0 : i32
    %mul3A_1 = arith.constant 512 : i32
    %mul3A_2 = arith.muli %add3A, %mul3A_1 : i32
    "tpu.region"() ({
      %run_scoped3A = tpu.sem_alloc : memref<!tpu.dma_semaphore, #tpu.memory_space<semaphore_mem>>
      %dma_start3A_7 = tpu.memref_slice %arg3[%mul3A_2] : memref<16384xi32, #tpu.memory_space<hbm>> -> memref<512xi32, #tpu.memory_space<hbm>>
      %dma_start3A_8 = tpu.memref_slice %arg3[%mul3A_2] : memref<16384xi32, #tpu.memory_space<hbm>> -> memref<512xi32, #tpu.memory_space<hbm>>
      tpu.enqueue_dma source(%dma_start3A_8 : memref<512xi32, #tpu.memory_space<hbm>>) target(%arg5 : memref<512xi32, #tpu.memory_space<vmem>>) target_semaphore(%run_scoped3A : memref<!tpu.dma_semaphore, #tpu.memory_space<semaphore_mem>>)
      %dma_wait3A_9 = tpu.memref_slice %arg3[%mul3A_2] : memref<16384xi32, #tpu.memory_space<hbm>> -> memref<512xi32, #tpu.memory_space<hbm>>
      %dma_wait3A_10 = tpu.memref_slice %arg3[%mul3A_2] : memref<16384xi32, #tpu.memory_space<hbm>> -> memref<512xi32, #tpu.memory_space<hbm>>
      tpu.wait_dma2 semaphore(%run_scoped3A : memref<!tpu.dma_semaphore, #tpu.memory_space<semaphore_mem>>) src(%dma_wait3A_10 : memref<512xi32, #tpu.memory_space<hbm>>) dst(%arg5 : memref<512xi32, #tpu.memory_space<vmem>>)
      tpu.yield
    }) : () -> ()
    %dma_start3A = arith.constant 0 : i32
    %dma_start3A_3 = arith.constant 0 : i32
    %dma_start3A_4 = tpu.memref_slice %arg2[%dma_start3A, %dma_start3A_3] : memref<8192x32xf32, #tpu.memory_space<hbm>> -> memref<8192x32xf32, #tpu.memory_space<hbm>>
    tpu.enqueue_indirect_dma source(%dma_start3A_4 : memref<8192x32xf32, #tpu.memory_space<hbm>>) target(%arg6 : memref<512x32xf32, #tpu.memory_space<vmem>>) offsets(%arg5 : memref<512xi32, #tpu.memory_space<vmem>>) semaphore(%arg7 : memref<!tpu.dma_semaphore, #tpu.memory_space<semaphore_mem>>)
    %dma_wait3A = arith.constant 0 : i32
    %dma_wait3A_5 = arith.constant 0 : i32
    %dma_wait3A_6 = tpu.memref_slice %arg2[%dma_wait3A, %dma_wait3A_5] : memref<8192x32xf32, #tpu.memory_space<hbm>> -> memref<8192x32xf32, #tpu.memory_space<hbm>>
    tpu.wait_indirect_dma semaphore(%arg7 : memref<!tpu.dma_semaphore, #tpu.memory_space<semaphore_mem>>) src(%dma_wait3A_6 : memref<8192x32xf32, #tpu.memory_space<hbm>>) dst(%arg6 : memref<512x32xf32, #tpu.memory_space<vmem>>)
    "tpu.region"() ({
      %run_scoped3A = tpu.sem_alloc : memref<!tpu.dma_semaphore, #tpu.memory_space<semaphore_mem>>
      %dma_start3A_7 = arith.constant 0 : i32
      %dma_start3A_8 = tpu.memref_slice %arg4[%mul3A_2, %dma_start3A_7] : memref<16384x32xf32, #tpu.memory_space<hbm>> -> memref<512x32xf32, #tpu.memory_space<hbm>>
      %dma_start3A_9 = arith.constant 0 : i32
      %dma_start3A_10 = tpu.memref_slice %arg4[%mul3A_2, %dma_start3A_9] : memref<16384x32xf32, #tpu.memory_space<hbm>> -> memref<512x32xf32, #tpu.memory_space<hbm>>
      tpu.enqueue_dma source(%arg6 : memref<512x32xf32, #tpu.memory_space<vmem>>) target(%dma_start3A_10 : memref<512x32xf32, #tpu.memory_space<hbm>>) target_semaphore(%run_scoped3A : memref<!tpu.dma_semaphore, #tpu.memory_space<semaphore_mem>>)
      %dma_wait3A_11 = arith.constant 0 : i32
      %dma_wait3A_12 = tpu.memref_slice %arg4[%mul3A_2, %dma_wait3A_11] : memref<16384x32xf32, #tpu.memory_space<hbm>> -> memref<512x32xf32, #tpu.memory_space<hbm>>
      %dma_wait3A_13 = arith.constant 0 : i32
      %dma_wait3A_14 = tpu.memref_slice %arg4[%mul3A_2, %dma_wait3A_13] : memref<16384x32xf32, #tpu.memory_space<hbm>> -> memref<512x32xf32, #tpu.memory_space<hbm>>
      tpu.wait_dma2 semaphore(%run_scoped3A : memref<!tpu.dma_semaphore, #tpu.memory_space<semaphore_mem>>) src(%arg6 : memref<512x32xf32, #tpu.memory_space<vmem>>) dst(%dma_wait3A_14 : memref<512x32xf32, #tpu.memory_space<hbm>>)
      tpu.yield
    }) : () -> ()
    return
  }
}

module attributes {stable_mosaic.version = 14 : i64} {
  func.func @_encode_argmin_body(%arg0: i32, %arg1: memref<256x256xf32, #tpu.memory_space<vmem>>, %arg2: memref<256x512xf32, #tpu.memory_space<vmem>>, %arg3: memref<1x512xf32, #tpu.memory_space<vmem>>, %arg4: memref<512x512xf32, #tpu.memory_space<vmem>>, %arg5: memref<1x512xf32, #tpu.memory_space<vmem>>, %arg6: memref<512x32xf32, #tpu.memory_space<vmem>>, %arg7: memref<1x32xf32, #tpu.memory_space<vmem>>, %arg8: memref<32x8192xf32, #tpu.memory_space<vmem>>, %arg9: memref<256x32xf32, #tpu.memory_space<vmem>>, %arg10: memref<256x1xi32, #tpu.memory_space<vmem>>) attributes {dimension_semantics = [#tpu.dimension_semantics<arbitrary>], iteration_bounds = array<i64: 64>, scalar_prefetch = 0 : i64, scratch_operands = 0 : i64, tpu.core_type = #tpu.core_type<tc>, window_params = [{transform_indices = @transform_0, window_bounds = array<i64: 256, 256>}, {pipeline_mode = #tpu.pipeline_mode<synchronous>, transform_indices = @transform_1, window_bounds = array<i64: 256, 512>}, {pipeline_mode = #tpu.pipeline_mode<synchronous>, transform_indices = @transform_2, window_bounds = array<i64: 1, 512>}, {pipeline_mode = #tpu.pipeline_mode<synchronous>, transform_indices = @transform_3, window_bounds = array<i64: 512, 512>}, {pipeline_mode = #tpu.pipeline_mode<synchronous>, transform_indices = @transform_4, window_bounds = array<i64: 1, 512>}, {pipeline_mode = #tpu.pipeline_mode<synchronous>, transform_indices = @transform_5, window_bounds = array<i64: 512, 32>}, {pipeline_mode = #tpu.pipeline_mode<synchronous>, transform_indices = @transform_6, window_bounds = array<i64: 1, 32>}, {pipeline_mode = #tpu.pipeline_mode<synchronous>, transform_indices = @transform_7, window_bounds = array<i64: 32, 8192>}, {transform_indices = @transform_8, window_bounds = array<i64: 256, 32>}, {transform_indices = @transform_9, window_bounds = array<i64: 256, 1>}]} {
    %get3A = arith.constant 0 : index
    %get3A_0 = arith.constant 0 : index
    %get3A_1 = vector.load %arg1[%get3A, %get3A_0] : memref<256x256xf32, #tpu.memory_space<vmem>>, vector<256x256xf32>
    %get3A_2 = arith.constant 0 : index
    %get3A_3 = arith.constant 0 : index
    %get3A_4 = vector.load %arg2[%get3A_2, %get3A_3] : memref<256x512xf32, #tpu.memory_space<vmem>>, vector<256x512xf32>
    %dot_general3A = arith.constant dense<0.000000e+00> : vector<256x512xf32>
    %dot_general3A_5 = tpu.matmul %get3A_1, %get3A_4, %dot_general3A {dimension_numbers = #tpu.dot_dimension_numbers<[1], [0], [0], [1], [0, 0, 1, 1], [], []>, transpose_lhs_hint = false} : vector<256x256xf32>, vector<256x512xf32>, vector<256x512xf32> -> vector<256x512xf32>
    %get3A_6 = arith.constant 0 : index
    %get3A_7 = arith.constant 0 : index
    %get3A_8 = vector.load %arg3[%get3A_6, %get3A_7] : memref<1x512xf32, #tpu.memory_space<vmem>>, vector<1x512xf32>
    %add3A = vector.broadcast %get3A_8 : vector<1x512xf32> to vector<256x512xf32>
    %add3A_9 = arith.addf %dot_general3A_5, %add3A : vector<256x512xf32>
    %max3A = arith.constant 0.000000e+00 : f32
    %max3A_10 = vector.broadcast %max3A : f32 to vector<256x512xf32>
    %max3A_11 = arith.maximumf %add3A_9, %max3A_10 : vector<256x512xf32>
    %get3A_12 = arith.constant 0 : index
    %get3A_13 = arith.constant 0 : index
    %get3A_14 = vector.load %arg4[%get3A_12, %get3A_13] : memref<512x512xf32, #tpu.memory_space<vmem>>, vector<512x512xf32>
    %dot_general3A_15 = arith.constant dense<0.000000e+00> : vector<256x512xf32>
    %dot_general3A_16 = tpu.matmul %max3A_11, %get3A_14, %dot_general3A_15 {dimension_numbers = #tpu.dot_dimension_numbers<[1], [0], [0], [1], [0, 0, 1, 1], [], []>, transpose_lhs_hint = false} : vector<256x512xf32>, vector<512x512xf32>, vector<256x512xf32> -> vector<256x512xf32>
    %get3A_17 = arith.constant 0 : index
    %get3A_18 = arith.constant 0 : index
    %get3A_19 = vector.load %arg5[%get3A_17, %get3A_18] : memref<1x512xf32, #tpu.memory_space<vmem>>, vector<1x512xf32>
    %add3A_20 = vector.broadcast %get3A_19 : vector<1x512xf32> to vector<256x512xf32>
    %add3A_21 = arith.addf %dot_general3A_16, %add3A_20 : vector<256x512xf32>
    %max3A_22 = arith.constant 0.000000e+00 : f32
    %max3A_23 = vector.broadcast %max3A_22 : f32 to vector<256x512xf32>
    %max3A_24 = arith.maximumf %add3A_21, %max3A_23 : vector<256x512xf32>
    %get3A_25 = arith.constant 0 : index
    %get3A_26 = arith.constant 0 : index
    %get3A_27 = vector.load %arg6[%get3A_25, %get3A_26] : memref<512x32xf32, #tpu.memory_space<vmem>>, vector<512x32xf32>
    %dot_general3A_28 = arith.constant dense<0.000000e+00> : vector<256x32xf32>
    %dot_general3A_29 = tpu.matmul %max3A_24, %get3A_27, %dot_general3A_28 {dimension_numbers = #tpu.dot_dimension_numbers<[1], [0], [0], [1], [0, 0, 1, 1], [], []>, transpose_lhs_hint = false} : vector<256x512xf32>, vector<512x32xf32>, vector<256x32xf32> -> vector<256x32xf32>
    %get3A_30 = arith.constant 0 : index
    %get3A_31 = arith.constant 0 : index
    %get3A_32 = vector.load %arg7[%get3A_30, %get3A_31] : memref<1x32xf32, #tpu.memory_space<vmem>>, vector<1x32xf32>
    %add3A_33 = vector.broadcast %get3A_32 : vector<1x32xf32> to vector<256x32xf32>
    %add3A_34 = arith.addf %dot_general3A_29, %add3A_33 : vector<256x32xf32>
    %swap3A = arith.constant 0 : index
    %swap3A_35 = arith.constant 0 : index
    %swap3A_36 = vector.load %arg9[%swap3A, %swap3A_35] : memref<256x32xf32, #tpu.memory_space<vmem>>, vector<256x32xf32>
    tpu.vector_store %arg9[%swap3A, %swap3A_35], %add3A_34 {strides = array<i32>} : memref<256x32xf32, #tpu.memory_space<vmem>>, vector<256x32xf32>,
    %get3A_37 = arith.constant 0 : index
    %get3A_38 = arith.constant 0 : index
    %get3A_39 = vector.load %arg8[%get3A_37, %get3A_38] : memref<32x8192xf32, #tpu.memory_space<vmem>>, vector<32x8192xf32>
    %mul3A = arith.mulf %add3A_34, %add3A_34 : vector<256x32xf32>
    %reduce_sum3A = arith.constant dense<0.000000e+00> : vector<256xf32>
    %reduce_sum3A_40 = vector.multi_reduction <add>, %mul3A, %reduce_sum3A [1] : vector<256x32xf32> to vector<256xf32>
    %broadcast_in_dim3A = vector.shape_cast %reduce_sum3A_40 : vector<256xf32> to vector<256x1xf32>
    %dot_general3A_41 = arith.constant dense<0.000000e+00> : vector<256x8192xf32>
    %dot_general3A_42 = tpu.matmul %add3A_34, %get3A_39, %dot_general3A_41 {dimension_numbers = #tpu.dot_dimension_numbers<[1], [0], [0], [1], [0, 0, 1, 1], [], []>, transpose_lhs_hint = false} : vector<256x32xf32>, vector<32x8192xf32>, vector<256x8192xf32> -> vector<256x8192xf32>
    %mul3A_43 = arith.constant 2.000000e+00 : f32
    %mul3A_44 = vector.broadcast %mul3A_43 : f32 to vector<256x8192xf32>
    %mul3A_45 = arith.mulf %mul3A_44, %dot_general3A_42 : vector<256x8192xf32>
    %sub3A = vector.broadcast %broadcast_in_dim3A : vector<256x1xf32> to vector<256x8192xf32>
    %sub3A_46 = arith.subf %sub3A, %mul3A_45 : vector<256x8192xf32>
    %mul3A_47 = arith.mulf %get3A_39, %get3A_39 : vector<32x8192xf32>
    %reduce_sum3A_48 = arith.constant dense<0.000000e+00> : vector<8192xf32>
    %reduce_sum3A_49 = vector.multi_reduction <add>, %mul3A_47, %reduce_sum3A_48 [0] : vector<32x8192xf32> to vector<8192xf32>
    %broadcast_in_dim3A_50 = vector.shape_cast %reduce_sum3A_49 : vector<8192xf32> to vector<1x8192xf32>
    %add3A_51 = vector.broadcast %broadcast_in_dim3A_50 : vector<1x8192xf32> to vector<256x8192xf32>
    %add3A_52 = arith.addf %sub3A_46, %add3A_51 : vector<256x8192xf32>
    %reduce_min3A = arith.constant dense<0x7F800000> : vector<256xf32>
    %reduce_min3A_53 = vector.multi_reduction <minimumf>, %add3A_52, %reduce_min3A [1] : vector<256x8192xf32> to vector<256xf32>
    %broadcast_in_dim3A_54 = vector.shape_cast %reduce_min3A_53 : vector<256xf32> to vector<256x1xf32>
    %iota3A = tpu.iota {dimensions = array<i32: 1>} : vector<256x8192xi32>
    %eq3A = vector.broadcast %broadcast_in_dim3A_54 : vector<256x1xf32> to vector<256x8192xf32>
    %eq3A_55 = arith.cmpf oeq, %add3A_52, %eq3A : vector<256x8192xf32>
    %jit3A = arith.constant 8192 : i32
    %broadcast_in_dim3A_56 = vector.broadcast %jit3A : i32 to vector<256x8192xi32>
    %select_n3A = arith.select %eq3A_55, %iota3A, %broadcast_in_dim3A_56 : vector<256x8192xi1>, vector<256x8192xi32>
    %reduce_min3A_57 = arith.constant dense<2147483647> : vector<256xi32>
    %reduce_min3A_58 = vector.multi_reduction <minsi>, %select_n3A, %reduce_min3A_57 [1] : vector<256x8192xi32> to vector<256xi32>
    %broadcast_in_dim3A_59 = vector.shape_cast %reduce_min3A_58 : vector<256xi32> to vector<256x1xi32>
    %swap3A_60 = arith.constant 0 : index
    %swap3A_61 = arith.constant 0 : index
    %swap3A_62 = vector.load %arg10[%swap3A_60, %swap3A_61] : memref<256x1xi32, #tpu.memory_space<vmem>>, vector<256x1xi32>
    tpu.vector_store %arg10[%swap3A_60, %swap3A_61], %broadcast_in_dim3A_59 {strides = array<i32>} : memref<256x1xi32, #tpu.memory_space<vmem>>, vector<256x1xi32>,
    return
  }
  func.func @transform_0(%arg0: i32) -> (i32, i32) {
    %c0_i32 = arith.constant 0 : i32
    %c0_i32_0 = arith.constant 0 : i32
    return %arg0, %c0_i32 : i32, i32
  }
  func.func @transform_1(%arg0: i32) -> (i32, i32) {
    %c0_i32 = arith.constant 0 : i32
    %c0_i32_0 = arith.constant 0 : i32
    %c0_i32_1 = arith.constant 0 : i32
    return %c0_i32, %c0_i32_0 : i32, i32
  }
  func.func @transform_2(%arg0: i32) -> (i32, i32) {
    %c0_i32 = arith.constant 0 : i32
    %c0_i32_0 = arith.constant 0 : i32
    %c0_i32_1 = arith.constant 0 : i32
    return %c0_i32, %c0_i32_0 : i32, i32
  }
  func.func @transform_3(%arg0: i32) -> (i32, i32) {
    %c0_i32 = arith.constant 0 : i32
    %c0_i32_0 = arith.constant 0 : i32
    %c0_i32_1 = arith.constant 0 : i32
    return %c0_i32, %c0_i32_0 : i32, i32
  }
  func.func @transform_4(%arg0: i32) -> (i32, i32) {
    %c0_i32 = arith.constant 0 : i32
    %c0_i32_0 = arith.constant 0 : i32
    %c0_i32_1 = arith.constant 0 : i32
    return %c0_i32, %c0_i32_0 : i32, i32
  }
  func.func @transform_5(%arg0: i32) -> (i32, i32) {
    %c0_i32 = arith.constant 0 : i32
    %c0_i32_0 = arith.constant 0 : i32
    %c0_i32_1 = arith.constant 0 : i32
    return %c0_i32, %c0_i32_0 : i32, i32
  }
  func.func @transform_6(%arg0: i32) -> (i32, i32) {
    %c0_i32 = arith.constant 0 : i32
    %c0_i32_0 = arith.constant 0 : i32
    %c0_i32_1 = arith.constant 0 : i32
    return %c0_i32, %c0_i32_0 : i32, i32
  }
  func.func @transform_7(%arg0: i32) -> (i32, i32) {
    %c0_i32 = arith.constant 0 : i32
    %c0_i32_0 = arith.constant 0 : i32
    %c0_i32_1 = arith.constant 0 : i32
    return %c0_i32, %c0_i32_0 : i32, i32
  }
  func.func @transform_8(%arg0: i32) -> (i32, i32) {
    %c0_i32 = arith.constant 0 : i32
    %c0_i32_0 = arith.constant 0 : i32
    return %arg0, %c0_i32 : i32, i32
  }
  func.func @transform_9(%arg0: i32) -> (i32, i32) {
    %c0_i32 = arith.constant 0 : i32
    %c0_i32_0 = arith.constant 0 : i32
    return %arg0, %c0_i32 : i32, i32
  }
}

module attributes {stable_mosaic.version = 14 : i64} {
  func.func @_decode_body(%arg0: i32, %arg1: memref<512x32xf32, #tpu.memory_space<vmem>>, %arg2: memref<32x512xf32, #tpu.memory_space<vmem>>, %arg3: memref<1x512xf32, #tpu.memory_space<vmem>>, %arg4: memref<512x512xf32, #tpu.memory_space<vmem>>, %arg5: memref<1x512xf32, #tpu.memory_space<vmem>>, %arg6: memref<512x256xf32, #tpu.memory_space<vmem>>, %arg7: memref<1x256xf32, #tpu.memory_space<vmem>>, %arg8: memref<512x256xf32, #tpu.memory_space<vmem>>) attributes {dimension_semantics = [#tpu.dimension_semantics<arbitrary>], iteration_bounds = array<i64: 32>, scalar_prefetch = 0 : i64, scratch_operands = 0 : i64, tpu.core_type = #tpu.core_type<tc>, window_params = [{transform_indices = @transform_0, window_bounds = array<i64: 512, 32>}, {pipeline_mode = #tpu.pipeline_mode<synchronous>, transform_indices = @transform_1, window_bounds = array<i64: 32, 512>}, {pipeline_mode = #tpu.pipeline_mode<synchronous>, transform_indices = @transform_2, window_bounds = array<i64: 1, 512>}, {pipeline_mode = #tpu.pipeline_mode<synchronous>, transform_indices = @transform_3, window_bounds = array<i64: 512, 512>}, {pipeline_mode = #tpu.pipeline_mode<synchronous>, transform_indices = @transform_4, window_bounds = array<i64: 1, 512>}, {pipeline_mode = #tpu.pipeline_mode<synchronous>, transform_indices = @transform_5, window_bounds = array<i64: 512, 256>}, {pipeline_mode = #tpu.pipeline_mode<synchronous>, transform_indices = @transform_6, window_bounds = array<i64: 1, 256>}, {transform_indices = @transform_7, window_bounds = array<i64: 512, 256>}]} {
    %get3A = arith.constant 0 : index
    %get3A_0 = arith.constant 0 : index
    %get3A_1 = vector.load %arg1[%get3A, %get3A_0] : memref<512x32xf32, #tpu.memory_space<vmem>>, vector<512x32xf32>
    %get3A_2 = arith.constant 0 : index
    %get3A_3 = arith.constant 0 : index
    %get3A_4 = vector.load %arg2[%get3A_2, %get3A_3] : memref<32x512xf32, #tpu.memory_space<vmem>>, vector<32x512xf32>
    %dot_general3A = arith.constant dense<0.000000e+00> : vector<512x512xf32>
    %dot_general3A_5 = tpu.matmul %get3A_1, %get3A_4, %dot_general3A {dimension_numbers = #tpu.dot_dimension_numbers<[1], [0], [0], [1], [0, 0, 1, 1], [], []>, transpose_lhs_hint = false} : vector<512x32xf32>, vector<32x512xf32>, vector<512x512xf32> -> vector<512x512xf32>
    %get3A_6 = arith.constant 0 : index
    %get3A_7 = arith.constant 0 : index
    %get3A_8 = vector.load %arg3[%get3A_6, %get3A_7] : memref<1x512xf32, #tpu.memory_space<vmem>>, vector<1x512xf32>
    %add3A = vector.broadcast %get3A_8 : vector<1x512xf32> to vector<512x512xf32>
    %add3A_9 = arith.addf %dot_general3A_5, %add3A : vector<512x512xf32>
    %max3A = arith.constant 0.000000e+00 : f32
    %max3A_10 = vector.broadcast %max3A : f32 to vector<512x512xf32>
    %max3A_11 = arith.maximumf %add3A_9, %max3A_10 : vector<512x512xf32>
    %get3A_12 = arith.constant 0 : index
    %get3A_13 = arith.constant 0 : index
    %get3A_14 = vector.load %arg4[%get3A_12, %get3A_13] : memref<512x512xf32, #tpu.memory_space<vmem>>, vector<512x512xf32>
    %dot_general3A_15 = arith.constant dense<0.000000e+00> : vector<512x512xf32>
    %dot_general3A_16 = tpu.matmul %max3A_11, %get3A_14, %dot_general3A_15 {dimension_numbers = #tpu.dot_dimension_numbers<[1], [0], [0], [1], [0, 0, 1, 1], [], []>, transpose_lhs_hint = false} : vector<512x512xf32>, vector<512x512xf32>, vector<512x512xf32> -> vector<512x512xf32>
    %get3A_17 = arith.constant 0 : index
    %get3A_18 = arith.constant 0 : index
    %get3A_19 = vector.load %arg5[%get3A_17, %get3A_18] : memref<1x512xf32, #tpu.memory_space<vmem>>, vector<1x512xf32>
    %add3A_20 = vector.broadcast %get3A_19 : vector<1x512xf32> to vector<512x512xf32>
    %add3A_21 = arith.addf %dot_general3A_16, %add3A_20 : vector<512x512xf32>
    %max3A_22 = arith.constant 0.000000e+00 : f32
    %max3A_23 = vector.broadcast %max3A_22 : f32 to vector<512x512xf32>
    %max3A_24 = arith.maximumf %add3A_21, %max3A_23 : vector<512x512xf32>
    %get3A_25 = arith.constant 0 : index
    %get3A_26 = arith.constant 0 : index
    %get3A_27 = vector.load %arg6[%get3A_25, %get3A_26] : memref<512x256xf32, #tpu.memory_space<vmem>>, vector<512x256xf32>
    %dot_general3A_28 = arith.constant dense<0.000000e+00> : vector<512x256xf32>
    %dot_general3A_29 = tpu.matmul %max3A_24, %get3A_27, %dot_general3A_28 {dimension_numbers = #tpu.dot_dimension_numbers<[1], [0], [0], [1], [0, 0, 1, 1], [], []>, transpose_lhs_hint = false} : vector<512x512xf32>, vector<512x256xf32>, vector<512x256xf32> -> vector<512x256xf32>
    %get3A_30 = arith.constant 0 : index
    %get3A_31 = arith.constant 0 : index
    %get3A_32 = vector.load %arg7[%get3A_30, %get3A_31] : memref<1x256xf32, #tpu.memory_space<vmem>>, vector<1x256xf32>
    %add3A_33 = vector.broadcast %get3A_32 : vector<1x256xf32> to vector<512x256xf32>
    %add3A_34 = arith.addf %dot_general3A_29, %add3A_33 : vector<512x256xf32>
    %swap3A = arith.constant 0 : index
    %swap3A_35 = arith.constant 0 : index
    %swap3A_36 = vector.load %arg8[%swap3A, %swap3A_35] : memref<512x256xf32, #tpu.memory_space<vmem>>, vector<512x256xf32>
    tpu.vector_store %arg8[%swap3A, %swap3A_35], %add3A_34 {strides = array<i32>} : memref<512x256xf32, #tpu.memory_space<vmem>>, vector<512x256xf32>,
    return
  }
  func.func @transform_0(%arg0: i32) -> (i32, i32) {
    %c0_i32 = arith.constant 0 : i32
    %c0_i32_0 = arith.constant 0 : i32
    return %arg0, %c0_i32 : i32, i32
  }
  func.func @transform_1(%arg0: i32) -> (i32, i32) {
    %c0_i32 = arith.constant 0 : i32
    %c0_i32_0 = arith.constant 0 : i32
    %c0_i32_1 = arith.constant 0 : i32
    return %c0_i32, %c0_i32_0 : i32, i32
  }
  func.func @transform_2(%arg0: i32) -> (i32, i32) {
    %c0_i32 = arith.constant 0 : i32
    %c0_i32_0 = arith.constant 0 : i32
    %c0_i32_1 = arith.constant 0 : i32
    return %c0_i32, %c0_i32_0 : i32, i32
  }
  func.func @transform_3(%arg0: i32) -> (i32, i32) {
    %c0_i32 = arith.constant 0 : i32
    %c0_i32_0 = arith.constant 0 : i32
    %c0_i32_1 = arith.constant 0 : i32
    return %c0_i32, %c0_i32_0 : i32, i32
  }
  func.func @transform_4(%arg0: i32) -> (i32, i32) {
    %c0_i32 = arith.constant 0 : i32
    %c0_i32_0 = arith.constant 0 : i32
    %c0_i32_1 = arith.constant 0 : i32
    return %c0_i32, %c0_i32_0 : i32, i32
  }
  func.func @transform_5(%arg0: i32) -> (i32, i32) {
    %c0_i32 = arith.constant 0 : i32
    %c0_i32_0 = arith.constant 0 : i32
    %c0_i32_1 = arith.constant 0 : i32
    return %c0_i32, %c0_i32_0 : i32, i32
  }
  func.func @transform_6(%arg0: i32) -> (i32, i32) {
    %c0_i32 = arith.constant 0 : i32
    %c0_i32_0 = arith.constant 0 : i32
    %c0_i32_1 = arith.constant 0 : i32
    return %c0_i32, %c0_i32_0 : i32, i32
  }
  func.func @transform_7(%arg0: i32) -> (i32, i32) {
    %c0_i32 = arith.constant 0 : i32
    %c0_i32_0 = arith.constant 0 : i32
    return %arg0, %c0_i32 : i32, i32
  }
}

</mosaic_0001>

<sc_bundles>
// kernel: kernel.5.cloned.1.call-start
scs
__scs_entry_jumppad:
0x0: {  	(pc) =	sbr.rel $0x88, $3  }
0x1: {  	(tag) =	ssettag $0x0;
	lr =	simm.s32 $0x1  }
0x2: {  	[smem:$0x3F93] =	sst lr;
	_ =	strace $0xD0000000  }
0x3: {  	_ = 	snop  }
0x4: {  	_ = 	snop  }
0x5: {  	_ = 	snop  }
0x6: {  	_ = 	snop  }
0x7: {  	_ = 	snop  }
__scs_overlays_trampoline_lowered:
0x8: {  	[smem:$0x3FA2] =	sst s0  }
0x9: {  	[smem:$0x3FA3] =	sst s1  }
0xa: {  	[smem:$0x3FA4] =	sst s2  }
0xb: {  	[smem:$0x3FA5] =	sst s3  }
0xc: {  	[smem:$0x3FA6] =	sst s4  }
0xd: {  	[smem:$0x3FA7] =	sst s5  }
0xe: {  	[smem:$0x3FA8] =	sst s6  }
0xf: {  	[smem:$0x3FA9] =	sst s7  }
0x10: {  	[smem:$0x3FAA] =	sst s8  }
0x11: {  	[smem:$0x3FAB] =	sst s9;
	s0 =	simm.s32 @!p0 $0x0  }
0x12: {  	s1 =	sld [smem:$0x3F91];
	s0 =	simm.s32 @p0 $0x1  }
0x13: {  	[smem:$0x3FAC] =	sst s0;
	s0 =	simm.s32 @!p1 $0x0  }
0x14: {  	s2 =	sld [smem:$0x3F90];
	s0 =	simm.s32 @p1 $0x1  }
0x15: {  	[smem:$0x3FAD] =	sst s0;
	s0 =	simm.s32 @!p2 $0x0  }
0x16: {  	s3 =	sld [smem:$0x3FDB];
	s0 =	simm.s32 @p2 $0x1  }
0x17: {  	s4 =	simm.s32 $0x1BF5;
	[smem:$0x3FAF] =	sst s0  }
0x18: {  	s0 =	sld [smem:$0x3F92];
	_ =	swait.ge [sflag:s4], $0x0  }
0x19: {  	s7 =	sld [smem:$0x3F93]  }
0x1a: {  	s8 =	sadd.s32 $0xFFFFE003, lr  }
0x1b: {  	s9 =	sadd.s32 $0xFFFFFEF7, lr;
	s5 =	simm.s32 $0xFFFFFFFF;
	p2 =	slt.u32 s8, $0xFFFFF086  }
0x1c: {  	p1 =	slt.u32 s9, $0xF7A;
	s5 =	simm.s32 @!p2 $0x0  }
0x1d: {  	s5 =	simm.s32 @p1 $0x1;
	p0 =	seq.s32 s7, s2  }
0x1e: {  	s7 =	smul.u32 @!p0 $0xF7A, s2;
	p2 =	seq.s32 @!p0 s5, $0x0  }
0x1f: {  	s9 =	smul.u32 $0xF7A, s1;
	s8 =	simm.s32 @!p0 $0x1BF5;
	p2 =	por !p2, p0  }
0x20: {  	[sflag:s8] =	ssyncset.s32 @!p0 $0xFFFFF086;
	s6 =	sadd.s32 @!p0 s3, s7;
	s7 =	simm.s32 @!p0 $0x108  }
0x21: {  	s3 =	sadd.s32 s3, s9;
	s6 =	sadd.s32 @!p0 $0x88, s6;
	s7 =	simm.s32 @p2 $0x1082  }
0x22: {  	[simem:s7], [sflag:s8] =	dma.local @!p0 [hbm:s6], $0xF7A  }
0x23: {  	s9 =	sor.u32 $0xD0000000, s2;
	s6 =	simm.s32 $0x108;
	_ =	swait.ge @!p0 [sflag:s8], $0x0  }
0x24: {  	s3 =	sadd.s32 $0x88, s3;
	s6 =	simm.s32 @!p1 $0x1082;
	[sflag:s4] =	ssyncset.s32 $0xFFFFF086  }
0x25: {  	[simem:s6], [sflag:s4] =	dma.local [hbm:s3], $0xF7A  }
0x26: {  	[smem:$0x3F93] =	sst s1;
	(tag) =	ssettag s2;
	_ =	strace s9  }
0x27: {  	s1 =	sld [smem:$0x3FA3]  }
0x28: {  	s2 =	sld [smem:$0x3FA4]  }
0x29: {  	s4 =	sld [smem:$0x3FA6]  }
0x2a: {  	p0 =	seq.s32 s5, $0x0;
	s5 =	sld [smem:$0x3FA7]  }
0x2b: {  	s6 =	sld [smem:$0x3FA8]  }
0x2c: {  	s7 =	sld [smem:$0x3FA9]  }
0x2d: {  	s3 =	simm.s32 $0x108;
	s8 =	sld [smem:$0x3FAA]  }
0x2e: {  	s3 =	simm.s32 @!p0 $0x1082;
	s9 =	sld [smem:$0x3FAB]  }
0x2f: {  	lr =	sadd.s32 s0, s3;
	s0 =	sld [smem:$0x3FA2]  }
0x30: {  	s3 =	sld [smem:$0x3FA5]  }
0x31: {  	[smem:$0x3FAE] =	sst s10  }
0x32: {  	s10 =	sld [smem:$0x3FAC];
	_ =	sdelay $0x3  }
0x33: {  	p0 =	seq.s32 s10, $0x1;
	s10 =	sld [smem:$0x3FAE];
	_ =	sdelay $0x3  }
0x34: {  	[smem:$0x3FAE] =	sst s10  }
0x35: {  	s10 =	sld [smem:$0x3FAD];
	_ =	sdelay $0x3  }
0x36: {  	p1 =	seq.s32 s10, $0x1;
	s10 =	sld [smem:$0x3FAE];
	_ =	sdelay $0x3  }
0x37: {  	[smem:$0x3FAE] =	sst s10  }
0x38: {  	s10 =	sld [smem:$0x3FAF]  }
0x39: {  	_ = 	snop;
	(pc) =	sbr.ind lr, $3  }
0x3a: {  	_ = 	snop  }
0x3b: {  	_ = 	snop  }
0x3c: {  	p2 =	seq.s32 s10, $0x1;
	s10 =	sld [smem:$0x3FAE]  }
0x3d: {  	_ =	shalt  }
0x3e: {  	_ =	shalt  }
0x3f: {  	_ =	shalt  }
0x40: {  	_ =	shalt  }
0x41: {  	_ =	shalt  }
0x42: {  	_ =	shalt  }
0x43: {  	_ =	shalt  }
0x44: {  	_ =	shalt  }
0x45: {  	_ =	shalt  }
0x46: {  	_ =	shalt  }
0x47: {  	_ =	shalt  }
0x48: {  	_ =	shalt  }
0x49: {  	_ =	shalt  }
0x4a: {  	_ =	shalt  }
0x4b: {  	_ =	shalt  }
0x4c: {  	_ =	shalt  }
0x4d: {  	_ =	shalt  }
0x4e: {  	_ =	shalt  }
0x4f: {  	_ =	shalt  }
0x50: {  	_ =	shalt  }
0x51: {  	_ =	shalt  }
0x52: {  	_ =	shalt  }
0x53: {  	_ =	shalt  }
0x54: {  	_ =	shalt  }
0x55: {  	_ =	shalt  }
0x56: {  	_ =	shalt  }
0x57: {  	_ =	shalt  }
0x58: {  	_ =	shalt  }
0x59: {  	_ =	shalt  }
0x5a: {  	_ =	shalt  }
0x5b: {  	_ =	shalt  }
0x5c: {  	_ =	shalt  }
0x5d: {  	_ =	shalt  }
0x5e: {  	_ =	shalt  }
0x5f: {  	_ =	shalt  }
0x60: {  	_ =	shalt  }
0x61: {  	_ =	shalt  }
0x62: {  	_ =	shalt  }
0x63: {  	_ =	shalt  }
0x64: {  	_ =	shalt  }
0x65: {  	_ =	shalt  }
0x66: {  	_ =	shalt  }
0x67: {  	_ =	shalt  }
0x68: {  	_ =	shalt  }
0x69: {  	_ =	shalt  }
0x6a: {  	_ =	shalt  }
0x6b: {  	_ =	shalt  }
0x6c: {  	_ =	shalt  }
0x6d: {  	_ =	shalt  }
0x6e: {  	_ =	shalt  }
0x6f: {  	_ =	shalt  }
0x70: {  	_ =	shalt  }
0x71: {  	_ =	shalt  }
0x72: {  	_ =	shalt  }
0x73: {  	_ =	shalt  }
0x74: {  	_ =	shalt  }
0x75: {  	_ =	shalt  }
0x76: {  	_ =	shalt  }
0x77: {  	_ =	shalt  }
0x78: {  	_ =	shalt  }
0x79: {  	_ =	shalt  }
0x7a: {  	_ =	shalt  }
0x7b: {  	_ =	shalt  }
0x7c: {  	_ =	shalt  }
0x7d: {  	_ =	shalt  }
0x7e: {  	_ =	shalt  }
0x7f: {  	_ =	shalt  }
0x80: {  	_ =	shalt  }
0x81: {  	_ =	shalt  }
0x82: {  	_ =	shalt  }
0x83: {  	_ =	shalt  }
0x84: {  	_ =	shalt  }
0x85: {  	_ =	shalt  }
0x86: {  	_ =	shalt  }
0x87: {  	_ =	shalt  }
.Lfunc_end0:
.L_simem_size_0:
called_computation_lowered:
.L_overlay_start_0:
0x88: {  	s2 =	sld [smem:$0x3FD9]  }
0x89: {  	s3 =	sld [smem:$0x3FFE];
	_ =	sdelay $0x1  }
0x8a: {  	s1 =	srdreg.scid  }
0x8b: {  	s0 =	sand.u32 $0x1, s1  }
0x8c: {  	s15 =	sshll.u32 s0, $0xA;
	s2 =	sadd.s32 s3, s2  }
0x8d: {  	s2 =	sadd.s32 s2, s15  }
0x8e: {  	[smem:$0x3FBA] =	sst s2  }
0x8f: {  	_ = 	snop  }
0x90: {  	s2 =	sld [smem:$0x3FD0];
	_ =	sdelay $0x2  }
0x91: {  	s16 =	simm.s32 $0xA;
	s4 =	simm.s32 $0x10  }
0x92: {  	[smem:s4], [sflag:s16] =	dma.local [hbm:s2], $0x1  }
0x93: {  	_ =	swait.eq [sflag:s16], $0x1  }
0x94: {  	s17 =	sld [smem:$0x10];
	[sflag:s16] =	ssyncset.done $0x0  }
0x95: {  	s18 =	sld [smem:$0x12];
	[sflag:s16] =	ssyncadd.s32 $0xFFFFFFFF  }
0x96: {  	s19 =	sld [smem:$0x13];
	(tm) =	ssettm $0x1  }
0x97: {  	s5 =	sld [smem:$0x3FFB];
	_ =	sdelay $0x3  }
0x98: {  	_ =	strace s5  }
0x99: {  	s5 =	sld [smem:$0x3FFC];
	_ =	sdelay $0x3  }
0x9a: {  	_ =	strace s5  }
0x9b: {  	s5 =	sld [smem:$0x3FFD];
	_ =	sdelay $0x3  }
0x9c: {  	_ =	strace s5  }
0x9d: {  	_ =	strace $0x8FFFFFFF  }
0x9e: {  	s20 =	sld [smem:$0x3FDB];
	_ =	sdelay $0x1  }
0x9f: {  	s6 =	simm.s32 $_scs_section_size  }
0xa0: {  	s7 =	simm.s32 $_size__tile_overlayer_lowered;
	s8 =	simm.s32 $_tile_overlayer_lowered  }
0xa1: {  	s23 =	simm.s32 $0x1BFF;
	s22 =	sshll.u32 s8, $0x1;
	s5 =	sadd.s32 s6, s20  }
0xa2: {  	s9 =	simm.s32 $0x0;
	s21 =	sshll.u32 s7, $0x1;
	s7 =	sadd.s32 s22, s5  }
0xa3: {  	[timem:s9], [sflag:s23] =	dma.local [hbm:s7], s21  }
0xa4: {  	_ =	swait.ge [sflag:s23], s21  }
0xa5: {  	s6 =	ssub.s32 $0x0, s21;
	[sflag:s23] =	ssyncset.done $0x0  }
0xa6: {  	[sflag:s23] =	ssyncadd.s32 s6;
	_ =	sdelay $0x1  }
0xa7: {  	s24 =	simm.s32 $0x1B8B  }
0xa8: {  	_ =	swait.ge [sflag:s24], $0x1  }
0xa9: {  	[sflag:s24] =	ssyncset.done $0x0  }
0xaa: {  	s25 =	simm.s32 $0x1B8E;
	[sflag:s24] =	ssyncadd.s32 $0xFFFFFFFF  }
0xab: {  	s26 =	simm.s32 $execute0_lowered;
	[smem:$0x3FD2] =	sst s25  }
0xac: {  	s6 =	sshll.u32 s26, $0x1;
	_ =	strace $0x80000046;
	[dreg:$0x1] =	wrdreg $0xFFFFFFFF  }
0xad: {  	s28 =	simm.s32 $_size_execute0_lowered;
	s5 =	sadd.s32 s5, s6;
	[dreg:$0x0] =	wrdreg $0x0  }
0xae: {  	s6 =	sshll.u32 s28, $0x1;
	[dreg:$0x2] =	wrdreg s5  }
0xaf: {  	[dreg:$0x3] =	wrdreg s6  }
0xb0: {  	[dreg:$0x4] =	wrdreg $0xC0  }
0xb1: {  	_ =	task [dreg:s9], $0x5FFFF  }
0xb2: {  	[dreg:$0x1] =	wrdreg $0xFFFFFFFF  }
0xb3: {  	[dreg:$0x0] =	wrdreg $0x60  }
0xb4: {  	[dreg:$0x2] =	wrdreg s17  }
0xb5: {  	[dreg:$0x3] =	wrdreg s19  }
0xb6: {  	[dreg:$0x4] =	wrdreg s18  }
0xb7: {  	[dreg:$0x5] =	wrdreg $0x9  }
0xb8: {  	_ =	task.clear_ibuf [dreg:s9], $0x6FFFF;
	_ =	strace $0x90000046  }
0xb9: {  	s29 =	simm.s32 $0x9;
	_ =	strace $0x80000048  }
0xba: {  	_ =	swait.ge [sflag:s29], $0x1  }
0xbb: {  	[sflag:s29] =	ssyncadd.s32 $0xFFFFFFFF  }
0xbc: {  	_ =	strace $0x90000048  }
0xbd: {  	_ =	sfence  }
0xbe: {  	s30 =	sld [smem:$0x0];
	_ =	sdelay $0x2  }
0xbf: {  	s31 =	sshll.u32 s1, $0xD;
	s1 =	sshrl.u32 s1, $0x2  }
0xc0: {  	s3 =	sand.u32 $0x4000, s31;
	s1 =	sadd.s32 s1, s30  }
0xc1: {  	s0 =	sor.u32 s3, s0;
	s1 =	sshll.u32 s1, $0x11  }
0xc2: {  	s0 =	sor.u32 s1, s0  }
0xc3: {  	s0 =	sadd.s32 $0x8F2B, s0  }
0xc4: {  	[sflag:s0] =	ssyncadd.remote.s32 $0x1  }
0xc5: {  	_ =	sfence.sel $0xFFFF  }
0xc6: {  	[dreg:$0x0] =	wrdreg $0xFFFFFFFF;
	(pc) =	sbr.abs _section_cstart, $3  }
0xc7: {  	[dreg:$0x1] =	wrdreg $0xFFFFFFFF  }
0xc8: {  	_ =	task.clear_ibuf [dreg:s9], $0x2FFFF;
	_ =	strace $0x9FFFFFFF  }
0xc9: {  	(tm) =	ssettm $0x7FFFFFFF  }
tec
execute0_lowered:
.L_overlay_start_1:
0x0: {  	(tag) =	ssettag $0x1  }
0x1: {  	s1 =	rddreg [dreg:$0x0]  }
0x2: {  	s2 =	srdreg.scid;
	s4 =	rddreg [dreg:$0x1]  }
0x3: {  	s0 =	stileid.u32;
	s8 =	rddreg [dreg:$0x2];
	s6 =	sand.u32 $0x1, s2  }
0x4: {  	s3 =	simm.s32 $0x0;
	s5 =	sshll.u32 s0, $0xA;
	s7 =	sshll.u32 s6, $0x9  }
0x5: {  	[smem:$0x7FF] =	sst s3;
	s9 =	sor.u32 s7, s5  }
0x6: {  	s2 =	rddreg [dreg:$0x3];
	_ =	strace $0x80000047;
	s5 =	sshrl.u32 s9, $0x3  }
0x7: {  	s10 =	ssub.s32 $0x2, s6;
	s5 =	sadd.s32 s4, s5;
	s4 =	simm.s32 $0x2  }
0x8: {  	[tilespmem:s3], [sflag:$0x2] =	stream.linear.gather [hbm4b:s5+s3], $0x200, $0x38;
	[tilespmem:$0x4200] =	vst v63  }
0x9: {  	s11 =	sshrl.u32 s10, $0x1;
	_ =	swait.ge [sflag:s4], $0x200  }
0xa: {  	s6 =	simm.s32 $0x200;
	s10 =	ssub.s32 s10, s11;
	[sflag:s4] =	ssyncset.done $0x0  }
0xb: {  	s7 =	simm.s32 $0x1;
	s31 =	smax.u32 s10, $0x1;
	[sflag:s4] =	ssyncadd.s32 $0xFFFFFE00  }
0xc: {  	[tilespmem:s6], [sflag:$0x1] =	stream.indirect.gather [hbm4b:s1+s6], $0x20, s3, s6, $0xb8;
	[tilespmem:$0x4200] =	vst v63  }
0xd: {  	p0 =	sne.s32 s31, $0x1;
	_ =	swait.ge [sflag:s7], $0x4000  }
.Ltmp0:
0xe: {  	s9 =	sshll.u32 s9, $0x2;
	[sflag:s7] =	ssyncset.done $0x0;
	(pc) =	sbr.rel @!p0 .LBB2_2-.Ltmp0, $4  }
0xf: {  	s8 =	sadd.s32 s8, s9;
	[sflag:s7] =	ssyncadd.s32 $0xFFFFC000  }
0x10: {  	[hbm4b:s8+s3] =	stream.linear.scatter [tilespmem:s6], [sflag:$0x2], $0x4000, $0x38;
	[tilespmem:$0x4200] =	vst v63  }
0x11: {  	_ =	swait.ge [sflag:s4], $0x4000  }
0x12: {  	s9 =	sadd.s32 $0xFFFFFFFF, s31;
	[sflag:s4] =	ssyncset.done $0x0  }
.LBB2_1:
0x13: {  	p0 =	sne.s32 s9, $0x1;
	s9 =	sadd.s32 $0xFFFFFFFF, s9;
	[sflag:s4] =	ssyncadd.s32 $0xFFFFC000  }
0x14: {  	[tilespmem:s3], [sflag:$0x2] =	stream.linear.gather [hbm4b:s5+s3], $0x200, $0x38;
	[tilespmem:$0x4200] =	vst v63  }
0x15: {  	_ =	swait.ge [sflag:s4], $0x200  }
0x16: {  	[sflag:s4] =	ssyncset.done $0x0  }
0x17: {  	[sflag:s4] =	ssyncadd.s32 $0xFFFFFE00  }
0x18: {  	[tilespmem:s6], [sflag:$0x1] =	stream.indirect.gather [hbm4b:s1+s6], $0x20, s3, s6, $0xb8;
	[tilespmem:$0x4200] =	vst v63  }
0x19: {  	_ =	swait.ge [sflag:s7], $0x4000  }
.Ltmp1:
0x1a: {  	[sflag:s7] =	ssyncset.done $0x0;
	(pc) =	sbr.rel @p0 .LBB2_1-.Ltmp1, $4  }
0x1b: {  	[sflag:s7] =	ssyncadd.s32 $0xFFFFC000  }
0x1c: {  	[hbm4b:s8+s3] =	stream.linear.scatter [tilespmem:s6], [sflag:$0x2], $0x4000, $0x38;
	[tilespmem:$0x4200] =	vst v63  }
0x1d: {  	_ =	swait.ge [sflag:s4], $0x4000  }
0x1e: {  	[sflag:s4] =	ssyncset.done $0x0  }
.LBB2_2:
0x1f: {  	[sflag:s4] =	ssyncadd.s32 $0xFFFFC000  }
0x20: {  	_ =	sfence.sel $0x180000  }
0x21: {  	[bflag:$0x0] =	sbarrier.arrive $0xFFFF  }
0x22: {  	p0 =	sne.s32 s0, $0x0;
	_ =	strace $0x90000047  }
0x23: {  	s0 =	sadd.s32 @!p0 $0x100000, s2;
	[bflag:$0x2] =	sbarrier.arrive $0xFFFF  }
0x24: {  	[sflag:s0] =	ssyncadd.tile.s32 @!p0 $0x1;
	_ =	shalt  }
.Lfunc_end2:
_tile_overlayer_lowered:
.L_overlay_start_2:
0x25: {  	(tag) =	ssettag $0x2  }
0x26: {  	s0 =	rddreg [dreg:$0x0];
	s2 =	stileid.u32  }
0x27: {  	s1 =	rddreg [dreg:$0x1];
	p0 =	sne.s32 s2, $0x0  }
0x28: {  	s3 =	rddreg [dreg:$0x2];
	[bflag:$0x3] =	sbarrier.arrive $0xFFFF;
	s2 =	simm.s32 @!p0 $0x1C02  }
0x29: {  	[timem:s3], [sflag:s2] =	dma.local @!p0 [hbm:s0], s1  }
0x2a: {  	s0 =	simm.s32 @!p0 $0x2  }
0x2b: {  	_ =	swait.ge @!p0 [sflag:s0], s1  }
0x2c: {  	s1 =	ssub.s32 @!p0 $0x0, s1;
	[sflag:s0] =	ssyncset.done @!p0 $0x0  }
0x2d: {  	[sflag:s0] =	ssyncadd.s32 @!p0 s1  }
0x2e: {  	[bflag:$0x3] =	sbarrier.arrive $0xFFFF  }
0x2f: {  	_ =	shalt  }

</sc_bundles>
